<compile_context>
chip_gen: v7x
topology: tpu7x:2x2x1
jax: 0.10.2.dev20260603
libtpu: 0.0.44.dev20260713+nightly
codegen_flags: <defaults>
</compile_context>

<pallas_src>
import functools

import jax
import jax.numpy as jnp
from jax import lax
from jax.experimental import pallas as pl
from jax.experimental.pallas import tpu as pltpu
from jax.experimental.pallas import tpu_sc as plsc

N = 10000
D = 128
E = 320000
NC = 2
NS = 16
NW = NC * NS
EPW = E // NW
BATCH = 80
NB = EPW // BATCH
K = 5
GROUPS = NB // K
CH = 624
TAIL = N - NS * CH

_HIGH = lax.Precision.HIGHEST


def _dot_t(a, w):
    return lax.dot_general(a, w, (((1,), (1,)), ((), ())),
                           precision=_HIGH, preferred_element_type=jnp.float32)


def _pre_body(nodes_ref, wm_ref, bm_ref, m_ref):
    m_ref[...] = _dot_t(nodes_ref[...], wm_ref[...]) + bm_ref[...]


def _edges_body(e_ref, o_ref):
    o_ref[...] = e_ref[...] + e_ref[...]


def _post_body(nodes_ref, acc_ref, wn_ref, bn_ref, out_ref):
    nodes = nodes_ref[...]
    magg = acc_ref[0] + acc_ref[1]
    w = wn_ref[...]
    out_ref[...] = (nodes + _dot_t(nodes, w[:, :D]) + _dot_t(magg, w[:, D:])
                    + bn_ref[...])


@functools.partial(
    pl.kernel,
    out_type=jax.ShapeDtypeStruct((NC, N, D), jnp.float32),
    mesh=plsc.VectorSubcoreMesh(core_axis_name="c", subcore_axis_name="s",
                                num_cores=NC, num_subcores=NS),
    scratch_types=[
        pltpu.VMEM((NB, BATCH), jnp.int32),
        pltpu.VMEM((BATCH,), jnp.int32),
        pltpu.VMEM((BATCH,), jnp.int32),
        pltpu.VMEM((BATCH, D), jnp.float32),
        pltpu.VMEM((BATCH, D), jnp.float32),
        pltpu.VMEM_SHARED((N, D), jnp.float32),
        pltpu.SemaphoreType.DMA,
        pltpu.SemaphoreType.DMA,
        pltpu.SemaphoreType.DMA,
        pltpu.SemaphoreType.DMA,
    ],
)
def _sc_segsum(m_hbm, s_hbm, r_hbm, z_hbm, out_hbm, s_idx, riA, riB,
               rowA, rowB, acc, gsA, gsB, ssA, ssB):
    c = lax.axis_index("c")
    s = lax.axis_index("s")
    wid = c * NS + s
    pltpu.sync_copy(s_hbm.at[wid], s_idx)
    base = s * CH
    pltpu.sync_copy(z_hbm, acc.at[pl.ds(base, CH)])

    @pl.when(s == 0)
    def _():
        pltpu.sync_copy(z_hbm.at[pl.ds(0, TAIL)], acc.at[pl.ds(NS * CH, TAIL)])

    plsc.subcore_barrier()

    def fire_g(buf, ri, gsem, i):
        pltpu.async_copy(r_hbm.at[wid, i], ri, gsem)
        pltpu.async_copy(m_hbm.at[s_idx.at[i]], buf, gsem)

    def fire_s(buf, ri, ssem, i):
        pltpu.async_copy(buf, acc.at[ri], ssem, add=True)

    def drain_g(buf, ri, gsem):
        pltpu.make_async_copy(m_hbm.at[pl.ds(0, BATCH)], buf, gsem).wait()
        pltpu.make_async_copy(r_hbm.at[0, 0], ri, gsem).wait()

    def drain_s(buf, ssem):
        pltpu.make_async_copy(m_hbm.at[pl.ds(0, BATCH)], buf, ssem).wait()

    fire_g(rowA, riA, gsA, 0)

    @pl.loop(0, (NB - 1) // 2)
    def _(j):
        i0 = 2 * j
        drain_g(rowA, riA, gsA)

        @pl.when(j > 0)
        def _():
            drain_s(rowB, ssB)

        fire_g(rowB, riB, gsB, i0 + 1)
        fire_s(rowA, riA, ssA, i0)
        drain_g(rowB, riB, gsB)
        drain_s(rowA, ssA)
        fire_g(rowA, riA, gsA, i0 + 2)
        fire_s(rowB, riB, ssB, i0 + 1)

    drain_g(rowA, riA, gsA)
    drain_s(rowB, ssB)
    fire_s(rowA, riA, ssA, NB - 1)
    drain_s(rowA, ssA)

    plsc.subcore_barrier()
    pltpu.sync_copy(acc.at[pl.ds(base, CH)], out_hbm.at[c, pl.ds(base, CH)])

    @pl.when(s == 0)
    def _():
        pltpu.sync_copy(acc.at[pl.ds(NS * CH, TAIL)],
                        out_hbm.at[c, pl.ds(NS * CH, TAIL)])


def kernel(nodes, edges, senders, receivers, W_msg, b_msg, W_node, b_node):
    senders = senders.astype(jnp.int32).reshape(NW, NB, BATCH)
    receivers = receivers.astype(jnp.int32).reshape(NW, NB, BATCH)
    zeros = jnp.zeros((CH, D), jnp.float32)

    m = pl.pallas_call(
        _pre_body,
        out_shape=jax.ShapeDtypeStruct((N, D), jnp.float32),
    )(nodes, W_msg, b_msg.reshape(1, D))

    new_edges = edges + edges

    acc = _sc_segsum(m, senders, receivers, zeros)

    new_nodes = pl.pallas_call(
        _post_body,
        out_shape=jax.ShapeDtypeStruct((N, D), jnp.float32),
        compiler_params=pltpu.CompilerParams(vmem_limit_bytes=64 * 2**20),
    )(nodes, acc, W_node, b_node.reshape(1, D))

    return (new_nodes, new_edges)

# --- scband reference (transcript-rebuilt; emitter-appended) ---
"""Pipeline reference for scband-gnca-56968446214209 (READ-ONLY COPY).

The authoritative reference and input builder live on the scoring server;
editing this copy changes nothing except your own understanding.
"""

import jax, jax.numpy as jnp
import numpy as np

N = 10000
E = 320000
D = 128
DE = 4

def setup_inputs(seed: int = 0) -> dict:
    key = jax.random.key(seed)
    k1, k2, k3, k4, k5, k6, k7, k8 = jax.random.split(key, 8)
    nodes = jax.random.normal(k1, (N, D), dtype=jnp.float32)
    edges = jax.random.normal(k2, (E, DE), dtype=jnp.float32)
    senders = jax.random.randint(k3, (E,), 0, N)
    receivers = jax.random.randint(k4, (E,), 0, N)
    # message_fn: eqx.nn.Linear(128, 128) -> weight (out,in), bias (out,)
    s_m = 1.0 / np.sqrt(D)
    W_msg = jax.random.uniform(k5, (D, D), dtype=jnp.float32, minval=-s_m, maxval=s_m)
    b_msg = jax.random.uniform(k6, (D,), dtype=jnp.float32, minval=-s_m, maxval=s_m)
    # node_fn: eqx.nn.Linear(256, 128)
    s_n = 1.0 / np.sqrt(2 * D)
    W_node = jax.random.uniform(k7, (D, 2 * D), dtype=jnp.float32, minval=-s_n, maxval=s_n)
    b_node = jax.random.uniform(k8, (D,), dtype=jnp.float32, minval=-s_n, maxval=s_n)
    return {"nodes": nodes, "edges": edges, "senders": senders, "receivers": receivers,
            "W_msg": W_msg, "b_msg": b_msg, "W_node": W_node, "b_node": b_node}

def reference(nodes, edges, senders, receivers, W_msg, b_msg, W_node, b_node):
    # GNCA.__call__ with use_edges=False, residual=True, aggr_fn=segment_sum
    # m = vmap(message_fn)(nodes)
    m = nodes @ W_msg.T + b_msg
    # m = segment_sum(m[senders], receivers, num_nodes)
    m_agg = jax.ops.segment_sum(m[senders], receivers, num_segments=nodes.shape[0])
    # nodes_new = vmap(node_fn)(concat([nodes, m], -1))
    h = jnp.concatenate([nodes, m_agg], axis=-1) @ W_node.T + b_node
    # residual: nodes + h, edges + edges
    new_nodes = nodes + h
    new_edges = edges + edges
    return (new_nodes, new_edges)

if __name__ == "__main__":
    import jax
    _d = setup_inputs()
    print(jax.jit(kernel)(*tuple(_d.values())))

</pallas_src>

<mosaic_0001>
#map = affine_map<(d0, d1) -> (0, 0)>
#map1 = affine_map<(d0, d1) -> (0, 0, 0)>
module attributes {stable_mosaic.version = 14 : i64} {
  func.func @_sc_segsum(%arg0: i32, %arg1: i32, %arg2: memref<10000x128xf32, #tpu.memory_space<hbm>>, %arg3: memref<32x125x80xi32, #tpu.memory_space<hbm>>, %arg4: memref<32x125x80xi32, #tpu.memory_space<hbm>>, %arg5: memref<624x128xf32, #tpu.memory_space<hbm>>, %arg6: memref<2x10000x128xf32, #tpu.memory_space<hbm>>, %arg7: memref<125x80xi32, #tpu.memory_space<vmem>>, %arg8: memref<80xi32, #tpu.memory_space<vmem>>, %arg9: memref<80xi32, #tpu.memory_space<vmem>>, %arg10: memref<80x128xf32, #tpu.memory_space<vmem>>, %arg11: memref<80x128xf32, #tpu.memory_space<vmem>>, %arg12: memref<10000x128xf32, #tpu.memory_space<vmem_shared>>, %arg13: memref<!tpu.dma_semaphore, #tpu.memory_space<semaphore_mem>>, %arg14: memref<!tpu.dma_semaphore, #tpu.memory_space<semaphore_mem>>, %arg15: memref<!tpu.dma_semaphore, #tpu.memory_space<semaphore_mem>>, %arg16: memref<!tpu.dma_semaphore, #tpu.memory_space<semaphore_mem>>) attributes {dimension_semantics = [#tpu.dimension_semantics<core_parallel>, #tpu.dimension_semantics<subcore_parallel>], iteration_bounds = array<i64: 2, 16>, scalar_prefetch = 0 : i64, scratch_operands = 10 : i64, tpu.core_type = #tpu.core_type<sc_vector_subcore>, window_params = [{transform_indices = #map}, {transform_indices = #map1}, {transform_indices = #map1}, {transform_indices = #map}, {transform_indices = #map1}]} {
    %mul3A = arith.constant 16 : i32
    %mul3A_0 = arith.muli %arg0, %mul3A : i32
    %add3A = arith.addi %mul3A_0, %arg1 : i32
    "tpu.region"() ({
      %run_scoped3A = tpu.sem_alloc : memref<!tpu.dma_semaphore, #tpu.memory_space<semaphore_mem>>
      %dma_start3A_56 = arith.constant 0 : i32
      %dma_start3A_57 = arith.constant 0 : i32
      %dma_start3A_58 = tpu.memref_slice %arg3[%add3A, %dma_start3A_56, %dma_start3A_57] : memref<32x125x80xi32, #tpu.memory_space<hbm>> -> memref<1x125x80xi32, #tpu.memory_space<hbm>>
      %dma_start3A_59 = tpu.memref_squeeze %dma_start3A_58 : memref<1x125x80xi32, #tpu.memory_space<hbm>> -> memref<125x80xi32, #tpu.memory_space<hbm>>
      %dma_start3A_60 = arith.constant 0 : i32
      %dma_start3A_61 = arith.constant 0 : i32
      %dma_start3A_62 = tpu.memref_slice %arg3[%add3A, %dma_start3A_60, %dma_start3A_61] : memref<32x125x80xi32, #tpu.memory_space<hbm>> -> memref<1x125x80xi32, #tpu.memory_space<hbm>>
      %dma_start3A_63 = tpu.memref_squeeze %dma_start3A_62 : memref<1x125x80xi32, #tpu.memory_space<hbm>> -> memref<125x80xi32, #tpu.memory_space<hbm>>
      tpu.enqueue_dma source(%dma_start3A_63 : memref<125x80xi32, #tpu.memory_space<hbm>>) target(%arg7 : memref<125x80xi32, #tpu.memory_space<vmem>>) target_semaphore(%run_scoped3A : memref<!tpu.dma_semaphore, #tpu.memory_space<semaphore_mem>>)
      %dma_wait3A_64 = arith.constant 0 : i32
      %dma_wait3A_65 = arith.constant 0 : i32
      %dma_wait3A_66 = tpu.memref_slice %arg3[%add3A, %dma_wait3A_64, %dma_wait3A_65] : memref<32x125x80xi32, #tpu.memory_space<hbm>> -> memref<1x125x80xi32, #tpu.memory_space<hbm>>
      %dma_wait3A_67 = tpu.memref_squeeze %dma_wait3A_66 : memref<1x125x80xi32, #tpu.memory_space<hbm>> -> memref<125x80xi32, #tpu.memory_space<hbm>>
      %dma_wait3A_68 = arith.constant 0 : i32
      %dma_wait3A_69 = arith.constant 0 : i32
      %dma_wait3A_70 = tpu.memref_slice %arg3[%add3A, %dma_wait3A_68, %dma_wait3A_69] : memref<32x125x80xi32, #tpu.memory_space<hbm>> -> memref<1x125x80xi32, #tpu.memory_space<hbm>>
      %dma_wait3A_71 = tpu.memref_squeeze %dma_wait3A_70 : memref<1x125x80xi32, #tpu.memory_space<hbm>> -> memref<125x80xi32, #tpu.memory_space<hbm>>
      tpu.wait_dma2 semaphore(%run_scoped3A : memref<!tpu.dma_semaphore, #tpu.memory_space<semaphore_mem>>) src(%dma_wait3A_71 : memref<125x80xi32, #tpu.memory_space<hbm>>) dst(%arg7 : memref<125x80xi32, #tpu.memory_space<vmem>>)
      tpu.yield
    }) : () -> ()
    %mul3A_1 = arith.constant 624 : i32
    %mul3A_2 = arith.muli %arg1, %mul3A_1 : i32
    "tpu.region"() ({
      %run_scoped3A = tpu.sem_alloc : memref<!tpu.dma_semaphore, #tpu.memory_space<semaphore_mem>>
      %dma_start3A_56 = arith.constant 0 : i32
      %dma_start3A_57 = tpu.memref_slice %arg12[%mul3A_2, %dma_start3A_56] : memref<10000x128xf32, #tpu.memory_space<vmem_shared>> -> memref<624x128xf32, #tpu.memory_space<vmem_shared>>
      tpu.enqueue_dma source(%arg5 : memref<624x128xf32, #tpu.memory_space<hbm>>) target(%dma_start3A_57 : memref<624x128xf32, #tpu.memory_space<vmem_shared>>) target_semaphore(%run_scoped3A : memref<!tpu.dma_semaphore, #tpu.memory_space<semaphore_mem>>)
      %dma_wait3A_58 = arith.constant 0 : i32
      %dma_wait3A_59 = tpu.memref_slice %arg12[%mul3A_2, %dma_wait3A_58] : memref<10000x128xf32, #tpu.memory_space<vmem_shared>> -> memref<624x128xf32, #tpu.memory_space<vmem_shared>>
      tpu.wait_dma2 semaphore(%run_scoped3A : memref<!tpu.dma_semaphore, #tpu.memory_space<semaphore_mem>>) src(%arg5 : memref<624x128xf32, #tpu.memory_space<hbm>>) dst(%dma_wait3A_59 : memref<624x128xf32, #tpu.memory_space<vmem_shared>>)
      tpu.yield
    }) : () -> ()
    %eq3A = arith.constant 0 : i32
    %eq3A_3 = arith.cmpi eq, %arg1, %eq3A : i32
    %convert_element_type3A = arith.extui %eq3A_3 : i1 to i32
    %cond3A = arith.constant 0 : i32
    %cond3A_4 = arith.cmpi ne, %convert_element_type3A, %cond3A : i32
    scf.if %cond3A_4 {
      "tpu.region"() ({
        %run_scoped3A = tpu.sem_alloc : memref<!tpu.dma_semaphore, #tpu.memory_space<semaphore_mem>>
        %dma_start3A_56 = arith.constant 9984 : i32
        %dma_start3A_57 = arith.constant 0 : i32
        %dma_start3A_58 = tpu.memref_slice %arg12[%dma_start3A_56, %dma_start3A_57] : memref<10000x128xf32, #tpu.memory_space<vmem_shared>> -> memref<16x128xf32, #tpu.memory_space<vmem_shared>>
        %dma_start3A_59 = arith.constant 0 : i32
        %dma_start3A_60 = arith.constant 0 : i32
        %dma_start3A_61 = tpu.memref_slice %arg5[%dma_start3A_59, %dma_start3A_60] : memref<624x128xf32, #tpu.memory_space<hbm>> -> memref<16x128xf32, #tpu.memory_space<hbm>>
        tpu.enqueue_dma source(%dma_start3A_61 : memref<16x128xf32, #tpu.memory_space<hbm>>) target(%dma_start3A_58 : memref<16x128xf32, #tpu.memory_space<vmem_shared>>) target_semaphore(%run_scoped3A : memref<!tpu.dma_semaphore, #tpu.memory_space<semaphore_mem>>)
        %dma_wait3A_62 = arith.constant 9984 : i32
        %dma_wait3A_63 = arith.constant 0 : i32
        %dma_wait3A_64 = tpu.memref_slice %arg12[%dma_wait3A_62, %dma_wait3A_63] : memref<10000x128xf32, #tpu.memory_space<vmem_shared>> -> memref<16x128xf32, #tpu.memory_space<vmem_shared>>
        %dma_wait3A_65 = arith.constant 0 : i32
        %dma_wait3A_66 = arith.constant 0 : i32
        %dma_wait3A_67 = tpu.memref_slice %arg5[%dma_wait3A_65, %dma_wait3A_66] : memref<624x128xf32, #tpu.memory_space<hbm>> -> memref<16x128xf32, #tpu.memory_space<hbm>>
        tpu.wait_dma2 semaphore(%run_scoped3A : memref<!tpu.dma_semaphore, #tpu.memory_space<semaphore_mem>>) src(%dma_wait3A_67 : memref<16x128xf32, #tpu.memory_space<hbm>>) dst(%dma_wait3A_64 : memref<16x128xf32, #tpu.memory_space<vmem_shared>>)
        tpu.yield
      }) : () -> ()
    } else {
    }
    %barrier3A = arith.constant 0 : index
    tpu.barrier barrier_id(%barrier3A)
    %dma_start3A = arith.constant 0 : i32
    %dma_start3A_5 = arith.constant 0 : i32
    %dma_start3A_6 = tpu.memref_slice %arg4[%add3A, %dma_start3A, %dma_start3A_5] : memref<32x125x80xi32, #tpu.memory_space<hbm>> -> memref<1x1x80xi32, #tpu.memory_space<hbm>>
    %dma_start3A_7 = tpu.memref_squeeze %dma_start3A_6 : memref<1x1x80xi32, #tpu.memory_space<hbm>> -> memref<80xi32, #tpu.memory_space<hbm>>
    %dma_start3A_8 = arith.constant 0 : i32
    %dma_start3A_9 = tpu.memref_slice %arg4[%add3A, %dma_start3A, %dma_start3A_8] : memref<32x125x80xi32, #tpu.memory_space<hbm>> -> memref<1x1x80xi32, #tpu.memory_space<hbm>>
    %dma_start3A_10 = tpu.memref_squeeze %dma_start3A_9 : memref<1x1x80xi32, #tpu.memory_space<hbm>> -> memref<80xi32, #tpu.memory_space<hbm>>
    tpu.enqueue_dma source(%dma_start3A_10 : memref<80xi32, #tpu.memory_space<hbm>>) target(%arg8 : memref<80xi32, #tpu.memory_space<vmem>>) target_semaphore(%arg13 : memref<!tpu.dma_semaphore, #tpu.memory_space<semaphore_mem>>)
    %dma_start3A_11 = arith.constant 0 : i32
    %dma_start3A_12 = arith.constant 0 : i32
    %dma_start3A_13 = tpu.memref_slice %arg7[%dma_start3A_11, %dma_start3A_12] : memref<125x80xi32, #tpu.memory_space<vmem>> -> memref<1x80xi32, #tpu.memory_space<vmem>>
    %dma_start3A_14 = tpu.memref_squeeze %dma_start3A_13 : memref<1x80xi32, #tpu.memory_space<vmem>> -> memref<80xi32, #tpu.memory_space<vmem>>
    %dma_start3A_15 = arith.constant 0 : i32
    %dma_start3A_16 = arith.constant 0 : i32
    %dma_start3A_17 = tpu.memref_slice %arg2[%dma_start3A_15, %dma_start3A_16] : memref<10000x128xf32, #tpu.memory_space<hbm>> -> memref<10000x128xf32, #tpu.memory_space<hbm>>
    tpu.enqueue_indirect_dma source(%dma_start3A_17 : memref<10000x128xf32, #tpu.memory_space<hbm>>) target(%arg10 : memref<80x128xf32, #tpu.memory_space<vmem>>) offsets(%dma_start3A_14 : memref<80xi32, #tpu.memory_space<vmem>>) semaphore(%arg13 : memref<!tpu.dma_semaphore, #tpu.memory_space<semaphore_mem>>)
    %scan3A = arith.constant 0 : i32
    %scan3A_18 = arith.constant 62 : i32
    %scan3A_19 = arith.addi %scan3A, %scan3A_18 : i32
    %scan3A_20 = arith.constant 1 : i32
    scf.for %scan3A_56 = %scan3A to %scan3A_19 step %scan3A_20  : i32 {
      %mul3A_57 = arith.constant 1 : i32
      %mul3A_58 = arith.muli %scan3A_56, %mul3A_57 : i32
      %add3A_59 = arith.constant 0 : i32
      %add3A_60 = arith.addi %add3A_59, %mul3A_58 : i32
      %mul3A_61 = arith.constant 2 : i32
      %mul3A_62 = arith.muli %mul3A_61, %add3A_60 : i32
      %dma_wait3A_63 = arith.constant 0 : i32
      %dma_wait3A_64 = arith.constant 0 : i32
      %dma_wait3A_65 = tpu.memref_slice %arg2[%dma_wait3A_63, %dma_wait3A_64] : memref<10000x128xf32, #tpu.memory_space<hbm>> -> memref<80x128xf32, #tpu.memory_space<hbm>>
      %dma_wait3A_66 = arith.constant 0 : i32
      %dma_wait3A_67 = arith.constant 0 : i32
      %dma_wait3A_68 = tpu.memref_slice %arg2[%dma_wait3A_66, %dma_wait3A_67] : memref<10000x128xf32, #tpu.memory_space<hbm>> -> memref<80x128xf32, #tpu.memory_space<hbm>>
      tpu.wait_dma2 semaphore(%arg13 : memref<!tpu.dma_semaphore, #tpu.memory_space<semaphore_mem>>) src(%dma_wait3A_68 : memref<80x128xf32, #tpu.memory_space<hbm>>) dst(%arg10 : memref<80x128xf32, #tpu.memory_space<vmem>>)
      %dma_wait3A_69 = arith.constant 0 : i32
      %dma_wait3A_70 = arith.constant 0 : i32
      %dma_wait3A_71 = arith.constant 0 : i32
      %dma_wait3A_72 = tpu.memref_slice %arg4[%dma_wait3A_69, %dma_wait3A_70, %dma_wait3A_71] : memref<32x125x80xi32, #tpu.memory_space<hbm>> -> memref<1x1x80xi32, #tpu.memory_space<hbm>>
      %dma_wait3A_73 = tpu.memref_squeeze %dma_wait3A_72 : memref<1x1x80xi32, #tpu.memory_space<hbm>> -> memref<80xi32, #tpu.memory_space<hbm>>
      %dma_wait3A_74 = arith.constant 0 : i32
      %dma_wait3A_75 = tpu.memref_slice %arg4[%dma_wait3A_69, %dma_wait3A_70, %dma_wait3A_74] : memref<32x125x80xi32, #tpu.memory_space<hbm>> -> memref<1x1x80xi32, #tpu.memory_space<hbm>>
      %dma_wait3A_76 = tpu.memref_squeeze %dma_wait3A_75 : memref<1x1x80xi32, #tpu.memory_space<hbm>> -> memref<80xi32, #tpu.memory_space<hbm>>
      tpu.wait_dma2 semaphore(%arg13 : memref<!tpu.dma_semaphore, #tpu.memory_space<semaphore_mem>>) src(%dma_wait3A_76 : memref<80xi32, #tpu.memory_space<hbm>>) dst(%arg8 : memref<80xi32, #tpu.memory_space<vmem>>)
      %gt3A = arith.constant 0 : i32
      %gt3A_77 = arith.cmpi sgt, %add3A_60, %gt3A : i32
      %convert_element_type3A_78 = arith.extui %gt3A_77 : i1 to i32
      %cond3A_79 = arith.constant 0 : i32
      %cond3A_80 = arith.cmpi ne, %convert_element_type3A_78, %cond3A_79 : i32
      scf.if %cond3A_80 {
        %dma_wait3A_137 = arith.constant 0 : i32
        %dma_wait3A_138 = arith.constant 0 : i32
        %dma_wait3A_139 = tpu.memref_slice %arg2[%dma_wait3A_137, %dma_wait3A_138] : memref<10000x128xf32, #tpu.memory_space<hbm>> -> memref<80x128xf32, #tpu.memory_space<hbm>>
        %dma_wait3A_140 = arith.constant 0 : i32
        %dma_wait3A_141 = arith.constant 0 : i32
        %dma_wait3A_142 = tpu.memref_slice %arg2[%dma_wait3A_140, %dma_wait3A_141] : memref<10000x128xf32, #tpu.memory_space<hbm>> -> memref<80x128xf32, #tpu.memory_space<hbm>>
        tpu.wait_dma2 semaphore(%arg16 : memref<!tpu.dma_semaphore, #tpu.memory_space<semaphore_mem>>) src(%dma_wait3A_142 : memref<80x128xf32, #tpu.memory_space<hbm>>) dst(%arg11 : memref<80x128xf32, #tpu.memory_space<vmem>>)
      } else {
      }
      %add3A_81 = arith.constant 1 : i32
      %add3A_82 = arith.addi %mul3A_62, %add3A_81 : i32
      %dma_start3A_83 = arith.constant 0 : i32
      %dma_start3A_84 = tpu.memref_slice %arg4[%add3A, %add3A_82, %dma_start3A_83] : memref<32x125x80xi32, #tpu.memory_space<hbm>> -> memref<1x1x80xi32, #tpu.memory_space<hbm>>
      %dma_start3A_85 = tpu.memref_squeeze %dma_start3A_84 : memref<1x1x80xi32, #tpu.memory_space<hbm>> -> memref<80xi32, #tpu.memory_space<hbm>>
      %dma_start3A_86 = arith.constant 0 : i32
      %dma_start3A_87 = tpu.memref_slice %arg4[%add3A, %add3A_82, %dma_start3A_86] : memref<32x125x80xi32, #tpu.memory_space<hbm>> -> memref<1x1x80xi32, #tpu.memory_space<hbm>>
      %dma_start3A_88 = tpu.memref_squeeze %dma_start3A_87 : memref<1x1x80xi32, #tpu.memory_space<hbm>> -> memref<80xi32, #tpu.memory_space<hbm>>
      tpu.enqueue_dma source(%dma_start3A_88 : memref<80xi32, #tpu.memory_space<hbm>>) target(%arg9 : memref<80xi32, #tpu.memory_space<vmem>>) target_semaphore(%arg14 : memref<!tpu.dma_semaphore, #tpu.memory_space<semaphore_mem>>)
      %dma_start3A_89 = arith.constant 0 : i32
      %dma_start3A_90 = tpu.memref_slice %arg7[%add3A_82, %dma_start3A_89] : memref<125x80xi32, #tpu.memory_space<vmem>> -> memref<1x80xi32, #tpu.memory_space<vmem>>
      %dma_start3A_91 = tpu.memref_squeeze %dma_start3A_90 : memref<1x80xi32, #tpu.memory_space<vmem>> -> memref<80xi32, #tpu.memory_space<vmem>>
      %dma_start3A_92 = arith.constant 0 : i32
      %dma_start3A_93 = arith.constant 0 : i32
      %dma_start3A_94 = tpu.memref_slice %arg2[%dma_start3A_92, %dma_start3A_93] : memref<10000x128xf32, #tpu.memory_space<hbm>> -> memref<10000x128xf32, #tpu.memory_space<hbm>>
      tpu.enqueue_indirect_dma source(%dma_start3A_94 : memref<10000x128xf32, #tpu.memory_space<hbm>>) target(%arg11 : memref<80x128xf32, #tpu.memory_space<vmem>>) offsets(%dma_start3A_91 : memref<80xi32, #tpu.memory_space<vmem>>) semaphore(%arg14 : memref<!tpu.dma_semaphore, #tpu.memory_space<semaphore_mem>>)
      %dma_start3A_95 = arith.constant 0 : i32
      %dma_start3A_96 = arith.constant 0 : i32
      %dma_start3A_97 = tpu.memref_slice %arg12[%dma_start3A_95, %dma_start3A_96] : memref<10000x128xf32, #tpu.memory_space<vmem_shared>> -> memref<10000x128xf32, #tpu.memory_space<vmem_shared>>
      tpu.enqueue_indirect_dma source(%arg10 : memref<80x128xf32, #tpu.memory_space<vmem>>) target(%dma_start3A_97 : memref<10000x128xf32, #tpu.memory_space<vmem_shared>>) offsets(%arg8 : memref<80xi32, #tpu.memory_space<vmem>>) semaphore(%arg15 : memref<!tpu.dma_semaphore, #tpu.memory_space<semaphore_mem>>) {add = true}
      %dma_wait3A_98 = arith.constant 0 : i32
      %dma_wait3A_99 = arith.constant 0 : i32
      %dma_wait3A_100 = tpu.memref_slice %arg2[%dma_wait3A_98, %dma_wait3A_99] : memref<10000x128xf32, #tpu.memory_space<hbm>> -> memref<80x128xf32, #tpu.memory_space<hbm>>
      %dma_wait3A_101 = arith.constant 0 : i32
      %dma_wait3A_102 = arith.constant 0 : i32
      %dma_wait3A_103 = tpu.memref_slice %arg2[%dma_wait3A_101, %dma_wait3A_102] : memref<10000x128xf32, #tpu.memory_space<hbm>> -> memref<80x128xf32, #tpu.memory_space<hbm>>
      tpu.wait_dma2 semaphore(%arg14 : memref<!tpu.dma_semaphore, #tpu.memory_space<semaphore_mem>>) src(%dma_wait3A_103 : memref<80x128xf32, #tpu.memory_space<hbm>>) dst(%arg11 : memref<80x128xf32, #tpu.memory_space<vmem>>)
      %dma_wait3A_104 = arith.constant 0 : i32
      %dma_wait3A_105 = arith.constant 0 : i32
      %dma_wait3A_106 = arith.constant 0 : i32
      %dma_wait3A_107 = tpu.memref_slice %arg4[%dma_wait3A_104, %dma_wait3A_105, %dma_wait3A_106] : memref<32x125x80xi32, #tpu.memory_space<hbm>> -> memref<1x1x80xi32, #tpu.memory_space<hbm>>
      %dma_wait3A_108 = tpu.memref_squeeze %dma_wait3A_107 : memref<1x1x80xi32, #tpu.memory_space<hbm>> -> memref<80xi32, #tpu.memory_space<hbm>>
      %dma_wait3A_109 = arith.constant 0 : i32
      %dma_wait3A_110 = tpu.memref_slice %arg4[%dma_wait3A_104, %dma_wait3A_105, %dma_wait3A_109] : memref<32x125x80xi32, #tpu.memory_space<hbm>> -> memref<1x1x80xi32, #tpu.memory_space<hbm>>
      %dma_wait3A_111 = tpu.memref_squeeze %dma_wait3A_110 : memref<1x1x80xi32, #tpu.memory_space<hbm>> -> memref<80xi32, #tpu.memory_space<hbm>>
      tpu.wait_dma2 semaphore(%arg14 : memref<!tpu.dma_semaphore, #tpu.memory_space<semaphore_mem>>) src(%dma_wait3A_111 : memref<80xi32, #tpu.memory_space<hbm>>) dst(%arg9 : memref<80xi32, #tpu.memory_space<vmem>>)
      %dma_wait3A_112 = arith.constant 0 : i32
      %dma_wait3A_113 = arith.constant 0 : i32
      %dma_wait3A_114 = tpu.memref_slice %arg2[%dma_wait3A_112, %dma_wait3A_113] : memref<10000x128xf32, #tpu.memory_space<hbm>> -> memref<80x128xf32, #tpu.memory_space<hbm>>
      %dma_wait3A_115 = arith.constant 0 : i32
      %dma_wait3A_116 = arith.constant 0 : i32
      %dma_wait3A_117 = tpu.memref_slice %arg2[%dma_wait3A_115, %dma_wait3A_116] : memref<10000x128xf32, #tpu.memory_space<hbm>> -> memref<80x128xf32, #tpu.memory_space<hbm>>
      tpu.wait_dma2 semaphore(%arg15 : memref<!tpu.dma_semaphore, #tpu.memory_space<semaphore_mem>>) src(%dma_wait3A_117 : memref<80x128xf32, #tpu.memory_space<hbm>>) dst(%arg10 : memref<80x128xf32, #tpu.memory_space<vmem>>)
      %add3A_118 = arith.constant 2 : i32
      %add3A_119 = arith.addi %mul3A_62, %add3A_118 : i32
      %dma_start3A_120 = arith.constant 0 : i32
      %dma_start3A_121 = tpu.memref_slice %arg4[%add3A, %add3A_119, %dma_start3A_120] : memref<32x125x80xi32, #tpu.memory_space<hbm>> -> memref<1x1x80xi32, #tpu.memory_space<hbm>>
      %dma_start3A_122 = tpu.memref_squeeze %dma_start3A_121 : memref<1x1x80xi32, #tpu.memory_space<hbm>> -> memref<80xi32, #tpu.memory_space<hbm>>
      %dma_start3A_123 = arith.constant 0 : i32
      %dma_start3A_124 = tpu.memref_slice %arg4[%add3A, %add3A_119, %dma_start3A_123] : memref<32x125x80xi32, #tpu.memory_space<hbm>> -> memref<1x1x80xi32, #tpu.memory_space<hbm>>
      %dma_start3A_125 = tpu.memref_squeeze %dma_start3A_124 : memref<1x1x80xi32, #tpu.memory_space<hbm>> -> memref<80xi32, #tpu.memory_space<hbm>>
      tpu.enqueue_dma source(%dma_start3A_125 : memref<80xi32, #tpu.memory_space<hbm>>) target(%arg8 : memref<80xi32, #tpu.memory_space<vmem>>) target_semaphore(%arg13 : memref<!tpu.dma_semaphore, #tpu.memory_space<semaphore_mem>>)
      %dma_start3A_126 = arith.constant 0 : i32
      %dma_start3A_127 = tpu.memref_slice %arg7[%add3A_119, %dma_start3A_126] : memref<125x80xi32, #tpu.memory_space<vmem>> -> memref<1x80xi32, #tpu.memory_space<vmem>>
      %dma_start3A_128 = tpu.memref_squeeze %dma_start3A_127 : memref<1x80xi32, #tpu.memory_space<vmem>> -> memref<80xi32, #tpu.memory_space<vmem>>
      %dma_start3A_129 = arith.constant 0 : i32
      %dma_start3A_130 = arith.constant 0 : i32
      %dma_start3A_131 = tpu.memref_slice %arg2[%dma_start3A_129, %dma_start3A_130] : memref<10000x128xf32, #tpu.memory_space<hbm>> -> memref<10000x128xf32, #tpu.memory_space<hbm>>
      tpu.enqueue_indirect_dma source(%dma_start3A_131 : memref<10000x128xf32, #tpu.memory_space<hbm>>) target(%arg10 : memref<80x128xf32, #tpu.memory_space<vmem>>) offsets(%dma_start3A_128 : memref<80xi32, #tpu.memory_space<vmem>>) semaphore(%arg13 : memref<!tpu.dma_semaphore, #tpu.memory_space<semaphore_mem>>)
      %add3A_132 = arith.constant 1 : i32
      %add3A_133 = arith.addi %mul3A_62, %add3A_132 : i32
      %dma_start3A_134 = arith.constant 0 : i32
      %dma_start3A_135 = arith.constant 0 : i32
      %dma_start3A_136 = tpu.memref_slice %arg12[%dma_start3A_134, %dma_start3A_135] : memref<10000x128xf32, #tpu.memory_space<vmem_shared>> -> memref<10000x128xf32, #tpu.memory_space<vmem_shared>>
      tpu.enqueue_indirect_dma source(%arg11 : memref<80x128xf32, #tpu.memory_space<vmem>>) target(%dma_start3A_136 : memref<10000x128xf32, #tpu.memory_space<vmem_shared>>) offsets(%arg9 : memref<80xi32, #tpu.memory_space<vmem>>) semaphore(%arg16 : memref<!tpu.dma_semaphore, #tpu.memory_space<semaphore_mem>>) {add = true}
    }
    %scan3A_21 = arith.constant 62 : i32
    %dma_wait3A = arith.constant 0 : i32
    %dma_wait3A_22 = arith.constant 0 : i32
    %dma_wait3A_23 = tpu.memref_slice %arg2[%dma_wait3A, %dma_wait3A_22] : memref<10000x128xf32, #tpu.memory_space<hbm>> -> memref<80x128xf32, #tpu.memory_space<hbm>>
    %dma_wait3A_24 = arith.constant 0 : i32
    %dma_wait3A_25 = arith.constant 0 : i32
    %dma_wait3A_26 = tpu.memref_slice %arg2[%dma_wait3A_24, %dma_wait3A_25] : memref<10000x128xf32, #tpu.memory_space<hbm>> -> memref<80x128xf32, #tpu.memory_space<hbm>>
    tpu.wait_dma2 semaphore(%arg13 : memref<!tpu.dma_semaphore, #tpu.memory_space<semaphore_mem>>) src(%dma_wait3A_26 : memref<80x128xf32, #tpu.memory_space<hbm>>) dst(%arg10 : memref<80x128xf32, #tpu.memory_space<vmem>>)
    %dma_wait3A_27 = arith.constant 0 : i32
    %dma_wait3A_28 = arith.constant 0 : i32
    %dma_wait3A_29 = arith.constant 0 : i32
    %dma_wait3A_30 = tpu.memref_slice %arg4[%dma_wait3A_27, %dma_wait3A_28, %dma_wait3A_29] : memref<32x125x80xi32, #tpu.memory_space<hbm>> -> memref<1x1x80xi32, #tpu.memory_space<hbm>>
    %dma_wait3A_31 = tpu.memref_squeeze %dma_wait3A_30 : memref<1x1x80xi32, #tpu.memory_space<hbm>> -> memref<80xi32, #tpu.memory_space<hbm>>
    %dma_wait3A_32 = arith.constant 0 : i32
    %dma_wait3A_33 = tpu.memref_slice %arg4[%dma_wait3A_27, %dma_wait3A_28, %dma_wait3A_32] : memref<32x125x80xi32, #tpu.memory_space<hbm>> -> memref<1x1x80xi32, #tpu.memory_space<hbm>>
    %dma_wait3A_34 = tpu.memref_squeeze %dma_wait3A_33 : memref<1x1x80xi32, #tpu.memory_space<hbm>> -> memref<80xi32, #tpu.memory_space<hbm>>
    tpu.wait_dma2 semaphore(%arg13 : memref<!tpu.dma_semaphore, #tpu.memory_space<semaphore_mem>>) src(%dma_wait3A_34 : memref<80xi32, #tpu.memory_space<hbm>>) dst(%arg8 : memref<80xi32, #tpu.memory_space<vmem>>)
    %dma_wait3A_35 = arith.constant 0 : i32
    %dma_wait3A_36 = arith.constant 0 : i32
    %dma_wait3A_37 = tpu.memref_slice %arg2[%dma_wait3A_35, %dma_wait3A_36] : memref<10000x128xf32, #tpu.memory_space<hbm>> -> memref<80x128xf32, #tpu.memory_space<hbm>>
    %dma_wait3A_38 = arith.constant 0 : i32
    %dma_wait3A_39 = arith.constant 0 : i32
    %dma_wait3A_40 = tpu.memref_slice %arg2[%dma_wait3A_38, %dma_wait3A_39] : memref<10000x128xf32, #tpu.memory_space<hbm>> -> memref<80x128xf32, #tpu.memory_space<hbm>>
    tpu.wait_dma2 semaphore(%arg16 : memref<!tpu.dma_semaphore, #tpu.memory_space<semaphore_mem>>) src(%dma_wait3A_40 : memref<80x128xf32, #tpu.memory_space<hbm>>) dst(%arg11 : memref<80x128xf32, #tpu.memory_space<vmem>>)
    %dma_start3A_41 = arith.constant 0 : i32
    %dma_start3A_42 = arith.constant 0 : i32
    %dma_start3A_43 = tpu.memref_slice %arg12[%dma_start3A_41, %dma_start3A_42] : memref<10000x128xf32, #tpu.memory_space<vmem_shared>> -> memref<10000x128xf32, #tpu.memory_space<vmem_shared>>
    tpu.enqueue_indirect_dma source(%arg10 : memref<80x128xf32, #tpu.memory_space<vmem>>) target(%dma_start3A_43 : memref<10000x128xf32, #tpu.memory_space<vmem_shared>>) offsets(%arg8 : memref<80xi32, #tpu.memory_space<vmem>>) semaphore(%arg15 : memref<!tpu.dma_semaphore, #tpu.memory_space<semaphore_mem>>) {add = true}
    %dma_wait3A_44 = arith.constant 0 : i32
    %dma_wait3A_45 = arith.constant 0 : i32
    %dma_wait3A_46 = tpu.memref_slice %arg2[%dma_wait3A_44, %dma_wait3A_45] : memref<10000x128xf32, #tpu.memory_space<hbm>> -> memref<80x128xf32, #tpu.memory_space<hbm>>
    %dma_wait3A_47 = arith.constant 0 : i32
    %dma_wait3A_48 = arith.constant 0 : i32
    %dma_wait3A_49 = tpu.memref_slice %arg2[%dma_wait3A_47, %dma_wait3A_48] : memref<10000x128xf32, #tpu.memory_space<hbm>> -> memref<80x128xf32, #tpu.memory_space<hbm>>
    tpu.wait_dma2 semaphore(%arg15 : memref<!tpu.dma_semaphore, #tpu.memory_space<semaphore_mem>>) src(%dma_wait3A_49 : memref<80x128xf32, #tpu.memory_space<hbm>>) dst(%arg10 : memref<80x128xf32, #tpu.memory_space<vmem>>)
    %barrier3A_50 = arith.constant 0 : index
    tpu.barrier barrier_id(%barrier3A_50)
    "tpu.region"() ({
      %run_scoped3A = tpu.sem_alloc : memref<!tpu.dma_semaphore, #tpu.memory_space<semaphore_mem>>
      %dma_start3A_56 = arith.constant 0 : i32
      %dma_start3A_57 = tpu.memref_slice %arg6[%arg0, %mul3A_2, %dma_start3A_56] : memref<2x10000x128xf32, #tpu.memory_space<hbm>> -> memref<1x624x128xf32, #tpu.memory_space<hbm>>
      %dma_start3A_58 = tpu.memref_squeeze %dma_start3A_57 : memref<1x624x128xf32, #tpu.memory_space<hbm>> -> memref<624x128xf32, #tpu.memory_space<hbm>>
      %dma_start3A_59 = arith.constant 0 : i32
      %dma_start3A_60 = tpu.memref_slice %arg12[%mul3A_2, %dma_start3A_59] : memref<10000x128xf32, #tpu.memory_space<vmem_shared>> -> memref<624x128xf32, #tpu.memory_space<vmem_shared>>
      tpu.enqueue_dma source(%dma_start3A_60 : memref<624x128xf32, #tpu.memory_space<vmem_shared>>) target(%dma_start3A_58 : memref<624x128xf32, #tpu.memory_space<hbm>>) target_semaphore(%run_scoped3A : memref<!tpu.dma_semaphore, #tpu.memory_space<semaphore_mem>>)
      %dma_wait3A_61 = arith.constant 0 : i32
      %dma_wait3A_62 = tpu.memref_slice %arg6[%arg0, %mul3A_2, %dma_wait3A_61] : memref<2x10000x128xf32, #tpu.memory_space<hbm>> -> memref<1x624x128xf32, #tpu.memory_space<hbm>>
      %dma_wait3A_63 = tpu.memref_squeeze %dma_wait3A_62 : memref<1x624x128xf32, #tpu.memory_space<hbm>> -> memref<624x128xf32, #tpu.memory_space<hbm>>
      %dma_wait3A_64 = arith.constant 0 : i32
      %dma_wait3A_65 = tpu.memref_slice %arg12[%mul3A_2, %dma_wait3A_64] : memref<10000x128xf32, #tpu.memory_space<vmem_shared>> -> memref<624x128xf32, #tpu.memory_space<vmem_shared>>
      tpu.wait_dma2 semaphore(%run_scoped3A : memref<!tpu.dma_semaphore, #tpu.memory_space<semaphore_mem>>) src(%dma_wait3A_65 : memref<624x128xf32, #tpu.memory_space<vmem_shared>>) dst(%dma_wait3A_63 : memref<624x128xf32, #tpu.memory_space<hbm>>)
      tpu.yield
    }) : () -> ()
    %eq3A_51 = arith.constant 0 : i32
    %eq3A_52 = arith.cmpi eq, %arg1, %eq3A_51 : i32
    %convert_element_type3A_53 = arith.extui %eq3A_52 : i1 to i32
    %cond3A_54 = arith.constant 0 : i32
    %cond3A_55 = arith.cmpi ne, %convert_element_type3A_53, %cond3A_54 : i32
    scf.if %cond3A_55 {
      "tpu.region"() ({
        %run_scoped3A = tpu.sem_alloc : memref<!tpu.dma_semaphore, #tpu.memory_space<semaphore_mem>>
        %dma_start3A_56 = arith.constant 9984 : i32
        %dma_start3A_57 = arith.constant 0 : i32
        %dma_start3A_58 = tpu.memref_slice %arg6[%arg0, %dma_start3A_56, %dma_start3A_57] : memref<2x10000x128xf32, #tpu.memory_space<hbm>> -> memref<1x16x128xf32, #tpu.memory_space<hbm>>
        %dma_start3A_59 = tpu.memref_squeeze %dma_start3A_58 : memref<1x16x128xf32, #tpu.memory_space<hbm>> -> memref<16x128xf32, #tpu.memory_space<hbm>>
        %dma_start3A_60 = arith.constant 9984 : i32
        %dma_start3A_61 = arith.constant 0 : i32
        %dma_start3A_62 = tpu.memref_slice %arg12[%dma_start3A_60, %dma_start3A_61] : memref<10000x128xf32, #tpu.memory_space<vmem_shared>> -> memref<16x128xf32, #tpu.memory_space<vmem_shared>>
        tpu.enqueue_dma source(%dma_start3A_62 : memref<16x128xf32, #tpu.memory_space<vmem_shared>>) target(%dma_start3A_59 : memref<16x128xf32, #tpu.memory_space<hbm>>) target_semaphore(%run_scoped3A : memref<!tpu.dma_semaphore, #tpu.memory_space<semaphore_mem>>)
        %dma_wait3A_63 = arith.constant 9984 : i32
        %dma_wait3A_64 = arith.constant 0 : i32
        %dma_wait3A_65 = tpu.memref_slice %arg6[%arg0, %dma_wait3A_63, %dma_wait3A_64] : memref<2x10000x128xf32, #tpu.memory_space<hbm>> -> memref<1x16x128xf32, #tpu.memory_space<hbm>>
        %dma_wait3A_66 = tpu.memref_squeeze %dma_wait3A_65 : memref<1x16x128xf32, #tpu.memory_space<hbm>> -> memref<16x128xf32, #tpu.memory_space<hbm>>
        %dma_wait3A_67 = arith.constant 9984 : i32
        %dma_wait3A_68 = arith.constant 0 : i32
        %dma_wait3A_69 = tpu.memref_slice %arg12[%dma_wait3A_67, %dma_wait3A_68] : memref<10000x128xf32, #tpu.memory_space<vmem_shared>> -> memref<16x128xf32, #tpu.memory_space<vmem_shared>>
        tpu.wait_dma2 semaphore(%run_scoped3A : memref<!tpu.dma_semaphore, #tpu.memory_space<semaphore_mem>>) src(%dma_wait3A_69 : memref<16x128xf32, #tpu.memory_space<vmem_shared>>) dst(%dma_wait3A_66 : memref<16x128xf32, #tpu.memory_space<hbm>>)
        tpu.yield
      }) : () -> ()
    } else {
    }
    return
  }
}

module attributes {stable_mosaic.version = 14 : i64} {
  func.func @_pre_body(%arg0: memref<10000x128xf32, #tpu.memory_space<vmem>>, %arg1: memref<128x128xf32, #tpu.memory_space<vmem>>, %arg2: memref<1x128xf32, #tpu.memory_space<vmem>>, %arg3: memref<10000x128xf32, #tpu.memory_space<vmem>>) attributes {dimension_semantics = [], scalar_prefetch = 0 : i64, scratch_operands = 0 : i64, tpu.core_type = #tpu.core_type<tc>} {
    %get3A = arith.constant 0 : index
    %get3A_0 = arith.constant 0 : index
    %get3A_1 = vector.load %arg0[%get3A, %get3A_0] : memref<10000x128xf32, #tpu.memory_space<vmem>>, vector<10000x128xf32>
    %get3A_2 = arith.constant 0 : index
    %get3A_3 = arith.constant 0 : index
    %get3A_4 = vector.load %arg1[%get3A_2, %get3A_3] : memref<128x128xf32, #tpu.memory_space<vmem>>, vector<128x128xf32>
    %dot_general3A = arith.constant dense<0.000000e+00> : vector<10000x128xf32>
    %dot_general3A_5 = tpu.matmul %get3A_1, %get3A_4, %dot_general3A {dimension_numbers = #tpu.dot_dimension_numbers<[1], [1], [0], [0], [0, 0, 1, 0], [], []>, precision = #tpu.contract_precision<fp32>, transpose_lhs_hint = false} : vector<10000x128xf32>, vector<128x128xf32>, vector<10000x128xf32> -> vector<10000x128xf32>
    %get3A_6 = arith.constant 0 : index
    %get3A_7 = arith.constant 0 : index
    %get3A_8 = vector.load %arg2[%get3A_6, %get3A_7] : memref<1x128xf32, #tpu.memory_space<vmem>>, vector<1x128xf32>
    %add3A = vector.broadcast %get3A_8 : vector<1x128xf32> to vector<10000x128xf32>
    %add3A_9 = arith.addf %dot_general3A_5, %add3A : vector<10000x128xf32>
    %swap3A = arith.constant 0 : index
    %swap3A_10 = arith.constant 0 : index
    %swap3A_11 = vector.load %arg3[%swap3A, %swap3A_10] : memref<10000x128xf32, #tpu.memory_space<vmem>>, vector<10000x128xf32>
    tpu.vector_store %arg3[%swap3A, %swap3A_10], %add3A_9 {strides = array<i32>} : memref<10000x128xf32, #tpu.memory_space<vmem>>, vector<10000x128xf32>,
    return
  }
}

module attributes {stable_mosaic.version = 14 : i64} {
  func.func @_post_body(%arg0: memref<10000x128xf32, #tpu.memory_space<vmem>>, %arg1: memref<2x10000x128xf32, #tpu.memory_space<vmem>>, %arg2: memref<128x256xf32, #tpu.memory_space<vmem>>, %arg3: memref<1x128xf32, #tpu.memory_space<vmem>>, %arg4: memref<10000x128xf32, #tpu.memory_space<vmem>>) attributes {dimension_semantics = [], scalar_prefetch = 0 : i64, scratch_operands = 0 : i64, tpu.core_type = #tpu.core_type<tc>} {
    %get3A = arith.constant 0 : index
    %get3A_0 = arith.constant 0 : index
    %get3A_1 = vector.load %arg0[%get3A, %get3A_0] : memref<10000x128xf32, #tpu.memory_space<vmem>>, vector<10000x128xf32>
    %get3A_2 = arith.constant 0 : index
    %get3A_3 = arith.constant 0 : index
    %get3A_4 = arith.constant 0 : index
    %get3A_5 = vector.load %arg1[%get3A_2, %get3A_3, %get3A_4] : memref<2x10000x128xf32, #tpu.memory_space<vmem>>, vector<1x10000x128xf32>
    %get3A_6 = vector.shape_cast %get3A_5 : vector<1x10000x128xf32> to vector<10000x128xf32>
    %get3A_7 = arith.constant 1 : index
    %get3A_8 = arith.constant 0 : index
    %get3A_9 = arith.constant 0 : index
    %get3A_10 = vector.load %arg1[%get3A_7, %get3A_8, %get3A_9] : memref<2x10000x128xf32, #tpu.memory_space<vmem>>, vector<1x10000x128xf32>
    %get3A_11 = vector.shape_cast %get3A_10 : vector<1x10000x128xf32> to vector<10000x128xf32>
    %add3A = arith.addf %get3A_6, %get3A_11 : vector<10000x128xf32>
    %get3A_12 = arith.constant 0 : index
    %get3A_13 = arith.constant 0 : index
    %get3A_14 = vector.load %arg2[%get3A_12, %get3A_13] : memref<128x256xf32, #tpu.memory_space<vmem>>, vector<128x256xf32>
    %slice3A = vector.extract_strided_slice %get3A_14 {offsets = [0, 0], sizes = [128, 128], strides = [1, 1]} : vector<128x256xf32> to vector<128x128xf32>
    %dot_general3A = arith.constant dense<0.000000e+00> : vector<10000x128xf32>
    %dot_general3A_15 = tpu.matmul %get3A_1, %slice3A, %dot_general3A {dimension_numbers = #tpu.dot_dimension_numbers<[1], [1], [0], [0], [0, 0, 1, 0], [], []>, precision = #tpu.contract_precision<fp32>, transpose_lhs_hint = false} : vector<10000x128xf32>, vector<128x128xf32>, vector<10000x128xf32> -> vector<10000x128xf32>
    %add3A_16 = arith.addf %get3A_1, %dot_general3A_15 : vector<10000x128xf32>
    %slice3A_17 = vector.extract_strided_slice %get3A_14 {offsets = [0, 128], sizes = [128, 128], strides = [1, 1]} : vector<128x256xf32> to vector<128x128xf32>
    %dot_general3A_18 = arith.constant dense<0.000000e+00> : vector<10000x128xf32>
    %dot_general3A_19 = tpu.matmul %add3A, %slice3A_17, %dot_general3A_18 {dimension_numbers = #tpu.dot_dimension_numbers<[1], [1], [0], [0], [0, 0, 1, 0], [], []>, precision = #tpu.contract_precision<fp32>, transpose_lhs_hint = false} : vector<10000x128xf32>, vector<128x128xf32>, vector<10000x128xf32> -> vector<10000x128xf32>
    %add3A_20 = arith.addf %add3A_16, %dot_general3A_19 : vector<10000x128xf32>
    %get3A_21 = arith.constant 0 : index
    %get3A_22 = arith.constant 0 : index
    %get3A_23 = vector.load %arg3[%get3A_21, %get3A_22] : memref<1x128xf32, #tpu.memory_space<vmem>>, vector<1x128xf32>
    %add3A_24 = vector.broadcast %get3A_23 : vector<1x128xf32> to vector<10000x128xf32>
    %add3A_25 = arith.addf %add3A_20, %add3A_24 : vector<10000x128xf32>
    %swap3A = arith.constant 0 : index
    %swap3A_26 = arith.constant 0 : index
    %swap3A_27 = vector.load %arg4[%swap3A, %swap3A_26] : memref<10000x128xf32, #tpu.memory_space<vmem>>, vector<10000x128xf32>
    tpu.vector_store %arg4[%swap3A, %swap3A_26], %add3A_25 {strides = array<i32>} : memref<10000x128xf32, #tpu.memory_space<vmem>>, vector<10000x128xf32>,
    return
  }
}

</mosaic_0001>

<sc_bundles>
// kernel: kernel.5.cloned.1.call-start
scs
__scs_entry_jumppad:
0x0: {  	(pc) =	sbr.rel $0x88, $3  }
0x1: {  	(tag) =	ssettag $0x0;
	lr =	simm.s32 $0x1  }
0x2: {  	[smem:$0x3F99] =	sst lr;
	_ =	strace $0xD0000000  }
0x3: {  	_ = 	snop  }
0x4: {  	_ = 	snop  }
0x5: {  	_ = 	snop  }
0x6: {  	_ = 	snop  }
0x7: {  	_ = 	snop  }
__scs_overlays_trampoline_lowered:
0x8: {  	[smem:$0x3FA8] =	sst s0  }
0x9: {  	[smem:$0x3FA9] =	sst s1  }
0xa: {  	[smem:$0x3FAA] =	sst s2  }
0xb: {  	[smem:$0x3FAB] =	sst s3  }
0xc: {  	[smem:$0x3FAC] =	sst s4  }
0xd: {  	[smem:$0x3FAD] =	sst s5  }
0xe: {  	[smem:$0x3FAE] =	sst s6  }
0xf: {  	[smem:$0x3FAF] =	sst s7  }
0x10: {  	[smem:$0x3FB0] =	sst s8  }
0x11: {  	[smem:$0x3FB1] =	sst s9;
	s0 =	simm.s32 @!p0 $0x0  }
0x12: {  	s1 =	sld [smem:$0x3F97];
	s0 =	simm.s32 @p0 $0x1  }
0x13: {  	[smem:$0x3FB2] =	sst s0;
	s0 =	simm.s32 @!p1 $0x0  }
0x14: {  	s2 =	sld [smem:$0x3F96];
	s0 =	simm.s32 @p1 $0x1  }
0x15: {  	[smem:$0x3FB3] =	sst s0;
	s0 =	simm.s32 @!p2 $0x0  }
0x16: {  	s3 =	sld [smem:$0x3FDB];
	s0 =	simm.s32 @p2 $0x1  }
0x17: {  	s4 =	simm.s32 $0x1BF5;
	[smem:$0x3FB5] =	sst s0  }
0x18: {  	s0 =	sld [smem:$0x3F98];
	_ =	swait.ge [sflag:s4], $0x0  }
0x19: {  	s7 =	sld [smem:$0x3F99]  }
0x1a: {  	s8 =	sadd.s32 $0xFFFFE003, lr  }
0x1b: {  	s9 =	sadd.s32 $0xFFFFFEF7, lr;
	s5 =	simm.s32 $0xFFFFFFFF;
	p2 =	slt.u32 s8, $0xFFFFF086  }
0x1c: {  	p1 =	slt.u32 s9, $0xF7A;
	s5 =	simm.s32 @!p2 $0x0  }
0x1d: {  	s5 =	simm.s32 @p1 $0x1;
	p0 =	seq.s32 s7, s2  }
0x1e: {  	s7 =	smul.u32 @!p0 $0xF7A, s2;
	p2 =	seq.s32 @!p0 s5, $0x0  }
0x1f: {  	s9 =	smul.u32 $0xF7A, s1;
	s8 =	simm.s32 @!p0 $0x1BF5;
	p2 =	por !p2, p0  }
0x20: {  	[sflag:s8] =	ssyncset.s32 @!p0 $0xFFFFF086;
	s6 =	sadd.s32 @!p0 s3, s7;
	s7 =	simm.s32 @!p0 $0x108  }
0x21: {  	s3 =	sadd.s32 s3, s9;
	s6 =	sadd.s32 @!p0 $0x88, s6;
	s7 =	simm.s32 @p2 $0x1082  }
0x22: {  	[simem:s7], [sflag:s8] =	dma.local @!p0 [hbm:s6], $0xF7A  }
0x23: {  	s9 =	sor.u32 $0xD0000000, s2;
	s6 =	simm.s32 $0x108;
	_ =	swait.ge @!p0 [sflag:s8], $0x0  }
0x24: {  	s3 =	sadd.s32 $0x88, s3;
	s6 =	simm.s32 @!p1 $0x1082;
	[sflag:s4] =	ssyncset.s32 $0xFFFFF086  }
0x25: {  	[simem:s6], [sflag:s4] =	dma.local [hbm:s3], $0xF7A  }
0x26: {  	[smem:$0x3F99] =	sst s1;
	(tag) =	ssettag s2;
	_ =	strace s9  }
0x27: {  	s1 =	sld [smem:$0x3FA9]  }
0x28: {  	s2 =	sld [smem:$0x3FAA]  }
0x29: {  	s4 =	sld [smem:$0x3FAC]  }
0x2a: {  	p0 =	seq.s32 s5, $0x0;
	s5 =	sld [smem:$0x3FAD]  }
0x2b: {  	s6 =	sld [smem:$0x3FAE]  }
0x2c: {  	s7 =	sld [smem:$0x3FAF]  }
0x2d: {  	s3 =	simm.s32 $0x108;
	s8 =	sld [smem:$0x3FB0]  }
0x2e: {  	s3 =	simm.s32 @!p0 $0x1082;
	s9 =	sld [smem:$0x3FB1]  }
0x2f: {  	lr =	sadd.s32 s0, s3;
	s0 =	sld [smem:$0x3FA8]  }
0x30: {  	s3 =	sld [smem:$0x3FAB]  }
0x31: {  	[smem:$0x3FB4] =	sst s10  }
0x32: {  	s10 =	sld [smem:$0x3FB2];
	_ =	sdelay $0x3  }
0x33: {  	p0 =	seq.s32 s10, $0x1;
	s10 =	sld [smem:$0x3FB4];
	_ =	sdelay $0x3  }
0x34: {  	[smem:$0x3FB4] =	sst s10  }
0x35: {  	s10 =	sld [smem:$0x3FB3];
	_ =	sdelay $0x3  }
0x36: {  	p1 =	seq.s32 s10, $0x1;
	s10 =	sld [smem:$0x3FB4];
	_ =	sdelay $0x3  }
0x37: {  	[smem:$0x3FB4] =	sst s10  }
0x38: {  	s10 =	sld [smem:$0x3FB5]  }
0x39: {  	_ = 	snop;
	(pc) =	sbr.ind lr, $3  }
0x3a: {  	_ = 	snop  }
0x3b: {  	_ = 	snop  }
0x3c: {  	p2 =	seq.s32 s10, $0x1;
	s10 =	sld [smem:$0x3FB4]  }
0x3d: {  	_ =	shalt  }
0x3e: {  	_ =	shalt  }
0x3f: {  	_ =	shalt  }
0x40: {  	_ =	shalt  }
0x41: {  	_ =	shalt  }
0x42: {  	_ =	shalt  }
0x43: {  	_ =	shalt  }
0x44: {  	_ =	shalt  }
0x45: {  	_ =	shalt  }
0x46: {  	_ =	shalt  }
0x47: {  	_ =	shalt  }
0x48: {  	_ =	shalt  }
0x49: {  	_ =	shalt  }
0x4a: {  	_ =	shalt  }
0x4b: {  	_ =	shalt  }
0x4c: {  	_ =	shalt  }
0x4d: {  	_ =	shalt  }
0x4e: {  	_ =	shalt  }
0x4f: {  	_ =	shalt  }
0x50: {  	_ =	shalt  }
0x51: {  	_ =	shalt  }
0x52: {  	_ =	shalt  }
0x53: {  	_ =	shalt  }
0x54: {  	_ =	shalt  }
0x55: {  	_ =	shalt  }
0x56: {  	_ =	shalt  }
0x57: {  	_ =	shalt  }
0x58: {  	_ =	shalt  }
0x59: {  	_ =	shalt  }
0x5a: {  	_ =	shalt  }
0x5b: {  	_ =	shalt  }
0x5c: {  	_ =	shalt  }
0x5d: {  	_ =	shalt  }
0x5e: {  	_ =	shalt  }
0x5f: {  	_ =	shalt  }
0x60: {  	_ =	shalt  }
0x61: {  	_ =	shalt  }
0x62: {  	_ =	shalt  }
0x63: {  	_ =	shalt  }
0x64: {  	_ =	shalt  }
0x65: {  	_ =	shalt  }
0x66: {  	_ =	shalt  }
0x67: {  	_ =	shalt  }
0x68: {  	_ =	shalt  }
0x69: {  	_ =	shalt  }
0x6a: {  	_ =	shalt  }
0x6b: {  	_ =	shalt  }
0x6c: {  	_ =	shalt  }
0x6d: {  	_ =	shalt  }
0x6e: {  	_ =	shalt  }
0x6f: {  	_ =	shalt  }
0x70: {  	_ =	shalt  }
0x71: {  	_ =	shalt  }
0x72: {  	_ =	shalt  }
0x73: {  	_ =	shalt  }
0x74: {  	_ =	shalt  }
0x75: {  	_ =	shalt  }
0x76: {  	_ =	shalt  }
0x77: {  	_ =	shalt  }
0x78: {  	_ =	shalt  }
0x79: {  	_ =	shalt  }
0x7a: {  	_ =	shalt  }
0x7b: {  	_ =	shalt  }
0x7c: {  	_ =	shalt  }
0x7d: {  	_ =	shalt  }
0x7e: {  	_ =	shalt  }
0x7f: {  	_ =	shalt  }
0x80: {  	_ =	shalt  }
0x81: {  	_ =	shalt  }
0x82: {  	_ =	shalt  }
0x83: {  	_ =	shalt  }
0x84: {  	_ =	shalt  }
0x85: {  	_ =	shalt  }
0x86: {  	_ =	shalt  }
0x87: {  	_ =	shalt  }
.Lfunc_end0:
.L_simem_size_0:
called_computation_lowered:
.L_overlay_start_0:
0x88: {  	s2 =	sld [smem:$0x3FD9]  }
0x89: {  	s3 =	sld [smem:$0x3FFE];
	_ =	sdelay $0x1  }
0x8a: {  	s1 =	srdreg.scid  }
0x8b: {  	s0 =	sand.u32 $0x1, s1  }
0x8c: {  	s14 =	sshll.u32 s0, $0xA;
	s2 =	sadd.s32 s3, s2  }
0x8d: {  	s2 =	sadd.s32 s2, s14  }
0x8e: {  	[smem:$0x3FC0] =	sst s2  }
0x8f: {  	_ = 	snop  }
0x90: {  	s2 =	sld [smem:$0x3FD0];
	_ =	sdelay $0x2  }
0x91: {  	s15 =	simm.s32 $0xA;
	s4 =	simm.s32 $0x10  }
0x92: {  	[smem:s4], [sflag:s15] =	dma.local [hbm:s2], $0x1  }
0x93: {  	_ =	swait.eq [sflag:s15], $0x1  }
0x94: {  	[sflag:s15] =	ssyncset.done $0x0  }
0x95: {  	[sflag:s15] =	ssyncadd.s32 $0xFFFFFFFF  }
0x96: {  	s16 =	sld [smem:$0x10];
	(tm) =	ssettm $0x1  }
0x97: {  	s17 =	sld [smem:$0x3FFB];
	_ =	sdelay $0x3  }
0x98: {  	_ =	strace s17  }
0x99: {  	s3 =	sld [smem:$0x3FFC];
	_ =	sdelay $0x3  }
0x9a: {  	_ =	strace s3  }
0x9b: {  	s3 =	sld [smem:$0x3FFD];
	_ =	sdelay $0x3  }
0x9c: {  	_ =	strace s3  }
0x9d: {  	_ =	strace $0x8FFFFFFF  }
0x9e: {  	s18 =	sld [smem:$0x3FDB];
	_ =	sdelay $0x1  }
0x9f: {  	s19 =	simm.s32 $_scs_section_size  }
0xa0: {  	s5 =	simm.s32 $_size__tile_overlayer_lowered;
	s6 =	simm.s32 $_tile_overlayer_lowered  }
0xa1: {  	s22 =	simm.s32 $0x1BFF;
	s21 =	sshll.u32 s6, $0x1;
	s3 =	sadd.s32 s19, s18  }
0xa2: {  	s7 =	simm.s32 $0x0;
	s20 =	sshll.u32 s5, $0x1;
	s5 =	sadd.s32 s21, s3  }
0xa3: {  	[timem:s7], [sflag:s22] =	dma.local [hbm:s5], s20  }
0xa4: {  	_ =	swait.ge [sflag:s22], s20  }
0xa5: {  	s4 =	ssub.s32 $0x0, s20;
	[sflag:s22] =	ssyncset.done $0x0  }
0xa6: {  	[sflag:s22] =	ssyncadd.s32 s4;
	_ =	sdelay $0x1  }
0xa7: {  	s23 =	simm.s32 $0x1B8B  }
0xa8: {  	_ =	swait.ge [sflag:s23], $0x1  }
0xa9: {  	[sflag:s23] =	ssyncset.done $0x0  }
0xaa: {  	s25 =	simm.s32 $0x1B8E;
	s24 =	sld [smem:$0x3FFE];
	[sflag:s23] =	ssyncadd.s32 $0xFFFFFFFF  }
0xab: {  	s26 =	simm.s32 $execute0_lowered;
	[smem:$0x3FD2] =	sst s25  }
0xac: {  	s5 =	sshll.u32 s26, $0x1;
	_ =	strace $0x80000046;
	[dreg:$0x1] =	wrdreg $0xFFFFFFFF  }
0xad: {  	s28 =	simm.s32 $_size_execute0_lowered;
	s3 =	sadd.s32 s3, s5;
	[dreg:$0x0] =	wrdreg $0x0  }
0xae: {  	s5 =	sshll.u32 s28, $0x1;
	[dreg:$0x2] =	wrdreg s3  }
0xaf: {  	[dreg:$0x3] =	wrdreg s5  }
0xb0: {  	[dreg:$0x4] =	wrdreg $0xC0  }
0xb1: {  	_ =	task [dreg:s7], $0x5FFFF  }
0xb2: {  	[dreg:$0x1] =	wrdreg $0xFFFFFFFF  }
0xb3: {  	[dreg:$0x0] =	wrdreg $0x60  }
0xb4: {  	[dreg:$0x2] =	wrdreg s16  }
0xb5: {  	[dreg:$0x3] =	wrdreg s24  }
0xb6: {  	[dreg:$0x4] =	wrdreg $0x91000  }
0xb7: {  	[dreg:$0x5] =	wrdreg $0x9  }
0xb8: {  	_ =	task.clear_ibuf [dreg:s7], $0x6FFFF;
	_ =	strace $0x90000046  }
0xb9: {  	s29 =	simm.s32 $0x9;
	_ =	strace $0x80000048  }
0xba: {  	_ =	swait.ge [sflag:s29], $0x1  }
0xbb: {  	[sflag:s29] =	ssyncadd.s32 $0xFFFFFFFF  }
0xbc: {  	_ =	strace $0x90000048  }
0xbd: {  	_ =	sfence  }
0xbe: {  	s30 =	sld [smem:$0x0];
	_ =	sdelay $0x2  }
0xbf: {  	s31 =	sshll.u32 s1, $0xD;
	s1 =	sshrl.u32 s1, $0x2  }
0xc0: {  	s3 =	sand.u32 $0x4000, s31;
	s1 =	sadd.s32 s1, s30  }
0xc1: {  	s0 =	sor.u32 s3, s0;
	s1 =	sshll.u32 s1, $0x11  }
0xc2: {  	s0 =	sor.u32 s1, s0  }
0xc3: {  	s0 =	sadd.s32 $0x8F2B, s0  }
0xc4: {  	[sflag:s0] =	ssyncadd.remote.s32 $0x1  }
0xc5: {  	_ =	sfence.sel $0xFFFF  }
0xc6: {  	[dreg:$0x0] =	wrdreg $0xFFFFFFFF;
	(pc) =	sbr.abs _section_cstart, $3  }
0xc7: {  	[dreg:$0x1] =	wrdreg $0xFFFFFFFF  }
0xc8: {  	_ =	task.clear_ibuf [dreg:s7], $0x2FFFF;
	_ =	strace $0x9FFFFFFF  }
0xc9: {  	(tm) =	ssettm $0x7FFFFFFF  }
tec
execute0_lowered:
.L_overlay_start_1:
0x0: {  	(tag) =	ssettag $0x1  }
0x1: {  	s1 =	rddreg [dreg:$0x0]  }
0x2: {  	s0 =	rddreg [dreg:$0x1]  }
0x3: {  	s2 =	rddreg [dreg:$0x2]  }
0x4: {  	s3 =	srdreg.scid;
	s15 =	stileid.u32;
	s14 =	simm.s32 $0x5  }
0x5: {  	s18 =	simm.s32 $0x4000;
	s19 =	simm.s32 $0x50;
	s20 =	simm.s32 $0x4100  }
0x6: {  	s21 =	simm.s32 $0x1;
	s22 =	simm.s32 $0x4080;
	s29 =	simm.s32 $0x4  }
0x7: {  	s30 =	simm.s32 $0x0;
	s7 =	sand.u32 $0x1, s3;
	s3 =	simm.s32 $0x0  }
0x8: {  	s5 =	sshll.u32 s15, $0xE;
	s10 =	smul.u32 $0x4E000, s15;
	s6 =	sadd.s32 $0x21400, s0  }
0x9: {  	s13 =	smul.u32 $0x13800, s15;
	s17 =	sadd.s32 $0x138000, s2;
	p0 =	sne.s32 s15, $0x0  }
0xa: {  	s31 =	sshll.u32 s15, $0x6;
	s4 =	sshll.u32 s7, $0x12;
	[smem:$0x7FF] =	sst s3  }
0xb: {  	s11 =	ssub.s32 $0x2, s7;
	s12 =	smul.u32 $0x138800, s7;
	s15 =	sor.u32 $0x1C05, s31  }
0xc: {  	s17 =	sshrl.u32 @!p0 s17, $0x3;
	s4 =	sor.u32 s5, s4;
	_ =	strace $0x80000047  }
0xd: {  	s5 =	sadd.s32 $0x11400, s0;
	s23 =	sshrl.u32 s11, $0x1;
	s25 =	sshrl.u32 s10, $0x2  }
0xe: {  	s8 =	sshrl.u32 s4, $0x3;
	s11 =	ssub.s32 s11, s23;
	s16 =	sadd.s32 s25, s2  }
0xf: {  	s26 =	sadd.s32 s13, s12;
	s28 =	sshrl.u32 s12, $0x3;
	s25 =	simm.s32 $0x2  }
0x10: {  	s9 =	sadd.s32 s8, s0;
	s0 =	sadd.s32 $0x23C00, s0;
	s8 =	sadd.s32 s5, s8  }
0x11: {  	s11 =	smax.u32 s11, $0x1;
	s16 =	sshrl.u32 s16, $0x3;
	s24 =	sadd.s32 $0x1400, s9  }
0x12: {  	s9 =	sshrl.u32 s26, $0x3;
	s10 =	sadd.s32 s0, s28;
	s12 =	sadd.s32 $0x10, s8  }
0x13: {  	s13 =	sadd.s32 $0x20, s8;
	s26 =	simm.s32 $0x3;
	[dreg:$0x4] =	wrdreg s24  }
0x14: {  	s9 =	sadd.s32 s0, s9;
	s10 =	sadd.s32 $0x27000, s10;
	s24 =	simm.s32 $0x6900  }
.LBB2_1:
0x15: {  	s0 =	rddreg [dreg:$0x4]  }
0x16: {  	[tilespmem:s3], [sflag:$0x5] =	stream.linear.gather [hbm4b:s0+s3], $0x3E80, $0x38;
	[tilespmem:$0x1C980] =	vst v63  }
0x17: {  	_ =	swait.ge [sflag:s14], $0x3E80  }
0x18: {  	[sflag:s14] =	ssyncset.done $0x0  }
0x19: {  	[sflag:s14] =	ssyncadd.s32 $0xFFFFC180  }
0x1a: {  	[spmem:s16], [sflag:s15] =	dma.local [hbm:s6], $0x2700  }
0x1b: {  	_ =	swait.ge [sflag:s14], $0x2700  }
0x1c: {  	[sflag:s14] =	ssyncset.done $0x0  }
0x1d: {  	s0 =	simm.s32 @!p0 $0x5;
	[sflag:s14] =	ssyncadd.s32 $0xFFFFD900  }
0x1e: {  	[spmem:s17], [sflag:s15] =	dma.local @!p0 [hbm:s6], $0x100  }
0x1f: {  	_ =	swait.ge @!p0 [sflag:s0], $0x100  }
0x20: {  	[sflag:s0] =	ssyncset.done @!p0 $0x0  }
0x21: {  	[sflag:s0] =	ssyncadd.s32 @!p0 $0xFFFFFF00  }
0x22: {  	[bflag:$0x0] =	sbarrier.arrive $0xFFFF  }
0x23: {  	[tilespmem:s18], [sflag:$0x1] =	stream.linear.gather [hbm4b:s8+s3], $0x80, $0x38;
	[tilespmem:$0x1C980] =	vst v63  }
0x24: {  	_ = 	snop  }
0x25: {  	[tilespmem:s20], [sflag:$0x1] =	stream.indirect.gather [hbm4b:s1+s19], $0x80, s3, s19, $0xb8;
	[tilespmem:$0x1C980] =	vst v63  }
0x26: {  	_ =	swait.ge [sflag:s21], $0x2800  }
0x27: {  	[sflag:s21] =	ssyncset.done $0x0  }
0x28: {  	[sflag:s21] =	ssyncadd.s32 $0xFFFFD800  }
0x29: {  	_ =	swait.ge [sflag:s21], $0x80  }
0x2a: {  	[sflag:s21] =	ssyncset.done $0x0  }
0x2b: {  	[sflag:s21] =	ssyncadd.s32 $0xFFFFFF80  }
0x2c: {  	[tilespmem:s22], [sflag:$0x2] =	stream.linear.gather [hbm4b:s12+s3], $0x80, $0x38;
	[tilespmem:$0x1C980] =	vst v63  }
0x2d: {  	s7 =	simm.s32 $0x80  }
0x2e: {  	[tilespmem:s24], [sflag:$0x2] =	stream.indirect.gather [hbm4b:s1+s19], $0x80, s7, s19, $0xb8;
	[tilespmem:$0x1C980] =	vst v63  }
0x2f: {  	_ = 	snop  }
0x30: {  	[spmem:s2] =	stream.indirect.scatter.add.f32 [tilespmem:s20], [sflag:$0x3], $0x80, s18, s19, $0xb8;
	[tilespmem:$0x1C980] =	vst v63  }
0x31: {  	_ =	swait.ge [sflag:s25], $0x2800  }
0x32: {  	[sflag:s25] =	ssyncset.done $0x0  }
0x33: {  	[sflag:s25] =	ssyncadd.s32 $0xFFFFD800  }
0x34: {  	_ =	swait.ge [sflag:s25], $0x80  }
0x35: {  	[sflag:s25] =	ssyncset.done $0x0  }
0x36: {  	[sflag:s25] =	ssyncadd.s32 $0xFFFFFF80  }
0x37: {  	_ =	swait.ge [sflag:s26], $0x2800  }
0x38: {  	[sflag:s26] =	ssyncset.done $0x0  }
0x39: {  	[sflag:s26] =	ssyncadd.s32 $0xFFFFD800  }
0x3a: {  	[tilespmem:s18], [sflag:$0x1] =	stream.linear.gather [hbm4b:s13+s3], $0x80, $0x38;
	[tilespmem:$0x1C980] =	vst v63  }
0x3b: {  	s23 =	simm.s32 $0x100  }
0x3c: {  	[tilespmem:s20], [sflag:$0x1] =	stream.indirect.gather [hbm4b:s1+s19], $0x80, s23, s19, $0xb8;
	[tilespmem:$0x1C980] =	vst v63  }
0x3d: {  	_ = 	snop  }
0x3e: {  	[spmem:s2] =	stream.indirect.scatter.add.f32 [tilespmem:s24], [sflag:$0x4], $0x80, s22, s19, $0xb8;
	[tilespmem:$0x1C980] =	vst v63  }
0x3f: {  	_ =	swait.ge [sflag:s21], $0x2800  }
0x40: {  	[sflag:s21] =	ssyncset.done $0x0  }
0x41: {  	[sflag:s21] =	ssyncadd.s32 $0xFFFFD800  }
0x42: {  	s28 =	simm.s32 $0x180;
	s31 =	simm.s32 $0x100;
	_ =	swait.ge [sflag:s21], $0x80  }
0x43: {  	s31 =	sand.u32 $0x3C00, s31;
	s0 =	sand.u32 $0x380, s28;
	[sflag:s21] =	ssyncset.done $0x0  }
0x44: {  	s0 =	sor.u32 s0, s31;
	[sflag:s21] =	ssyncadd.s32 $0xFFFFFF80  }
0x45: {  	s0 =	sor.u32 s4, s0;
	_ =	swait.ge [sflag:s29], $0x2800  }
0x46: {  	s0 =	sshrl.u32 s0, $0x3;
	[sflag:s29] =	ssyncset.done $0x0  }
0x47: {  	s0 =	sadd.s32 s5, s0;
	[sflag:s29] =	ssyncadd.s32 $0xFFFFD800  }
0x48: {  	[tilespmem:s22], [sflag:$0x2] =	stream.linear.gather [hbm4b:s0+s3], $0x80, $0x38;
	[tilespmem:$0x1C980] =	vst v63  }
0x49: {  	s7 =	simm.s32 $0x180  }
0x4a: {  	[tilespmem:s24], [sflag:$0x2] =	stream.indirect.gather [hbm4b:s1+s19], $0x80, s7, s19, $0xb8;
	[tilespmem:$0x1C980] =	vst v63  }
0x4b: {  	_ = 	snop  }
0x4c: {  	[spmem:s2] =	stream.indirect.scatter.add.f32 [tilespmem:s20], [sflag:$0x3], $0x80, s18, s19, $0xb8;
	[tilespmem:$0x1C980] =	vst v63  }
0x4d: {  	_ =	swait.ge [sflag:s25], $0x2800  }
0x4e: {  	[sflag:s25] =	ssyncset.done $0x0  }
0x4f: {  	[sflag:s25] =	ssyncadd.s32 $0xFFFFD800  }
0x50: {  	s23 =	simm.s32 $0x200;
	_ =	swait.ge [sflag:s25], $0x80  }
0x51: {  	s31 =	sand.u32 $0x7C00, s23;
	[sflag:s25] =	ssyncset.done $0x0  }
0x52: {  	s31 =	sadd.s32 s4, s31;
	s0 =	sand.u32 $0x300, s23;
	[sflag:s25] =	ssyncadd.s32 $0xFFFFFF80  }
0x53: {  	s0 =	sor.u32 s0, s31;
	_ =	swait.ge [sflag:s26], $0x2800  }
0x54: {  	s0 =	sshrl.u32 s0, $0x3;
	[sflag:s26] =	ssyncset.done $0x0  }
0x55: {  	s0 =	sadd.s32 s5, s0;
	[sflag:s26] =	ssyncadd.s32 $0xFFFFD800  }
0x56: {  	[tilespmem:s18], [sflag:$0x1] =	stream.linear.gather [hbm4b:s0+s3], $0x80, $0x38;
	[tilespmem:$0x1C980] =	vst v63  }
0x57: {  	s28 =	simm.s32 $0x200;
	s31 =	simm.s32 $0x300;
	s0 =	simm.s32 $0x280  }
0x58: {  	[tilespmem:s20], [sflag:$0x1] =	stream.indirect.gather [hbm4b:s1+s19], $0x80, s28, s19, $0xb8;
	[tilespmem:$0x1C980] =	vst v63  }
.LBB2_2:
0x59: {  	[spmem:s2] =	stream.indirect.scatter.add.f32 [tilespmem:s24], [sflag:$0x4], $0x80, s22, s19, $0xb8;
	[tilespmem:$0x1C980] =	vst v63  }
0x5a: {  	s23 =	smov.u32 s31  }
0x5b: {  	p1 =	sne.s32 s31, $0x3E00;
	s31 =	sadd.s32 $0x100, s31;
	_ =	swait.ge [sflag:s21], $0x2800  }
0x5c: {  	[sflag:s21] =	ssyncset.done $0x0  }
0x5d: {  	[sflag:s21] =	ssyncadd.s32 $0xFFFFD800  }
0x5e: {  	s28 =	sadd.s32 $0xFFFFFF80, s23;
	s7 =	sadd.s32 $0xFFFFFF00, s23;
	_ =	swait.ge [sflag:s21], $0x80  }
0x5f: {  	s28 =	sand.u32 $0x380, s28;
	s7 =	sand.u32 $0x3C00, s7;
	[sflag:s21] =	ssyncset.done $0x0  }
0x60: {  	s7 =	sor.u32 s28, s7;
	[sflag:s21] =	ssyncadd.s32 $0xFFFFFF80  }
0x61: {  	s7 =	sor.u32 s4, s7;
	_ =	swait.ge [sflag:s29], $0x2800  }
0x62: {  	s7 =	sshrl.u32 s7, $0x3;
	[sflag:s29] =	ssyncset.done $0x0  }
0x63: {  	s7 =	sadd.s32 s5, s7;
	[sflag:s29] =	ssyncadd.s32 $0xFFFFD800  }
0x64: {  	[tilespmem:s22], [sflag:$0x2] =	stream.linear.gather [hbm4b:s7+s3], $0x80, $0x38;
	[tilespmem:$0x1C980] =	vst v63  }
0x65: {  	_ = 	snop  }
0x66: {  	[tilespmem:s24], [sflag:$0x2] =	stream.indirect.gather [hbm4b:s1+s19], $0x80, s0, s19, $0xb8;
	[tilespmem:$0x1C980] =	vst v63  }
0x67: {  	_ = 	snop  }
0x68: {  	[spmem:s2] =	stream.indirect.scatter.add.f32 [tilespmem:s20], [sflag:$0x3], $0x80, s18, s19, $0xb8;
	[tilespmem:$0x1C980] =	vst v63  }
0x69: {  	_ =	swait.ge [sflag:s25], $0x2800  }
0x6a: {  	[sflag:s25] =	ssyncset.done $0x0  }
0x6b: {  	[sflag:s25] =	ssyncadd.s32 $0xFFFFD800  }
0x6c: {  	_ =	swait.ge [sflag:s25], $0x80  }
0x6d: {  	s7 =	sand.u32 $0x7C00, s23;
	[sflag:s25] =	ssyncset.done $0x0  }
0x6e: {  	s23 =	sand.u32 $0x300, s23;
	s7 =	sadd.s32 s4, s7;
	[sflag:s25] =	ssyncadd.s32 $0xFFFFFF80  }
0x6f: {  	s7 =	sor.u32 s23, s7;
	_ =	swait.ge [sflag:s26], $0x2800  }
0x70: {  	s7 =	sshrl.u32 s7, $0x3;
	[sflag:s26] =	ssyncset.done $0x0  }
.Ltmp0:
0x71: {  	s7 =	sadd.s32 s5, s7;
	[sflag:s26] =	ssyncadd.s32 $0xFFFFD800;
	(pc) =	sbr.rel @p1 .LBB2_2-.Ltmp0, $4  }
0x72: {  	[tilespmem:s18], [sflag:$0x1] =	stream.linear.gather [hbm4b:s7+s3], $0x80, $0x38;
	[tilespmem:$0x1C980] =	vst v63  }
0x73: {  	s7 =	sadd.s32 $0x80, s0  }
0x74: {  	[tilespmem:s20], [sflag:$0x1] =	stream.indirect.gather [hbm4b:s1+s19], $0x80, s7, s19, $0xb8;
	[tilespmem:$0x1C980] =	vst v63  }
0x75: {  	s0 =	sadd.s32 $0x100, s0  }
0x76: {  	[spmem:s2] =	stream.indirect.scatter.add.f32 [tilespmem:s24], [sflag:$0x4], $0x80, s22, s19, $0xb8;
	[tilespmem:$0x1C980] =	vst v63  }
0x77: {  	_ =	swait.ge [sflag:s21], $0x2800  }
0x78: {  	[sflag:s21] =	ssyncset.done $0x0  }
0x79: {  	[sflag:s21] =	ssyncadd.s32 $0xFFFFD800  }
0x7a: {  	_ =	swait.ge [sflag:s21], $0x80  }
0x7b: {  	[sflag:s21] =	ssyncset.done $0x0  }
0x7c: {  	[sflag:s21] =	ssyncadd.s32 $0xFFFFFF80  }
0x7d: {  	_ =	swait.ge [sflag:s29], $0x2800  }
0x7e: {  	[sflag:s29] =	ssyncset.done $0x0  }
0x7f: {  	[sflag:s29] =	ssyncadd.s32 $0xFFFFD800  }
0x80: {  	[spmem:s2] =	stream.indirect.scatter.add.f32 [tilespmem:s20], [sflag:$0x3], $0x80, s18, s19, $0xb8;
	[tilespmem:$0x1C980] =	vst v63  }
0x81: {  	_ =	swait.ge [sflag:s26], $0x2800  }
0x82: {  	[sflag:s26] =	ssyncset.done $0x0  }
0x83: {  	[sflag:s26] =	ssyncadd.s32 $0xFFFFD800  }
0x84: {  	[bflag:$0x0] =	sbarrier.arrive $0xFFFF  }
0x85: {  	[hbm:s9], [sflag:s15] =	dma.local [spmem:s16], $0x2700  }
0x86: {  	s30 =	sadd.s32 $0x1, s30;
	_ =	swait.ge [sflag:s14], $0x2700  }
0x87: {  	p1 =	sne.s32 s30, s11;
	[sflag:s14] =	ssyncset.done $0x0  }
.Ltmp1:
0x88: {  	s0 =	simm.s32 @!p0 $0x5;
	[sflag:s14] =	ssyncadd.s32 $0xFFFFD900;
	(pc) =	sbr.rel @p1 .LBB2_1-.Ltmp1, $4  }
0x89: {  	[hbm:s10], [sflag:s15] =	dma.local @!p0 [spmem:s17], $0x100  }
0x8a: {  	_ =	swait.ge @!p0 [sflag:s0], $0x100  }
0x8b: {  	[sflag:s0] =	ssyncset.done @!p0 $0x0  }
0x8c: {  	[sflag:s0] =	ssyncadd.s32 @!p0 $0xFFFFFF00  }
0x8d: {  	_ =	sfence.sel $0x180000  }
0x8e: {  	[bflag:$0x0] =	sbarrier.arrive $0xFFFF  }
0x8f: {  	_ =	strace $0x90000047  }
0x90: {  	[bflag:$0x2] =	sbarrier.arrive $0xFFFF  }
0x91: {  	s0 =	rddreg [dreg:$0x3]  }
0x92: {  	s0 =	sadd.s32 @!p0 $0x100000, s0  }
0x93: {  	[sflag:s0] =	ssyncadd.tile.s32 @!p0 $0x1;
	_ =	shalt  }
.Lfunc_end2:
_tile_overlayer_lowered:
.L_overlay_start_2:
0x94: {  	(tag) =	ssettag $0x2  }
0x95: {  	s0 =	rddreg [dreg:$0x0];
	s2 =	stileid.u32  }
0x96: {  	s1 =	rddreg [dreg:$0x1];
	p0 =	sne.s32 s2, $0x0  }
0x97: {  	s3 =	rddreg [dreg:$0x2];
	[bflag:$0x3] =	sbarrier.arrive $0xFFFF;
	s2 =	simm.s32 @!p0 $0x1C05  }
0x98: {  	[timem:s3], [sflag:s2] =	dma.local @!p0 [hbm:s0], s1  }
0x99: {  	s0 =	simm.s32 @!p0 $0x5  }
0x9a: {  	_ =	swait.ge @!p0 [sflag:s0], s1  }
0x9b: {  	s1 =	ssub.s32 @!p0 $0x0, s1;
	[sflag:s0] =	ssyncset.done @!p0 $0x0  }
0x9c: {  	[sflag:s0] =	ssyncadd.s32 @!p0 s1  }
0x9d: {  	[bflag:$0x3] =	sbarrier.arrive $0xFFFF  }
0x9e: {  	_ =	shalt  }

</sc_bundles>
